<compile_context>
chip_gen: v7x
topology: tpu7x:2x2x1
jax: 0.10.2.dev20260603
libtpu: 0.0.44.dev20260713+nightly
codegen_flags: <defaults>
</compile_context>

<pallas_src>
import functools

import jax
import jax.numpy as jnp
from jax import lax
from jax.experimental import pallas as pl
from jax.experimental.pallas import tpu as pltpu
from jax.experimental.pallas import tpu_sc as plsc

D_MODEL = 128
CHUNK = 64
NBUF = 4


@functools.lru_cache(maxsize=None)
def _build(n_idx: int, n_emb: int):
    info = plsc.get_sparse_core_info()
    nc, ns = info.num_cores, info.num_subcores
    nw = nc * ns
    per_w = n_idx // nw
    n_chunks = per_w // CHUNK
    mesh = plsc.VectorSubcoreMesh(core_axis_name="c", subcore_axis_name="s")

    @functools.partial(
        pl.kernel,
        mesh=mesh,
        out_type=jax.ShapeDtypeStruct((n_idx, D_MODEL), jnp.float32),
        scratch_types=[
            pltpu.VMEM((per_w,), jnp.int32),
            pltpu.VMEM_SHARED((n_emb, D_MODEL), jnp.float32),
            pltpu.VMEM((NBUF, CHUNK, D_MODEL), jnp.float32),
        ]
        + [pltpu.SemaphoreType.DMA] * (2 * NBUF),
    )
    def emb(x_hbm, table_hbm, out_hbm, idx_v, table_sh, rows_v, *sems):
        wid = lax.axis_index("s") * nc + lax.axis_index("c")
        base_w = wid * per_w
        sg = sems[:NBUF]
        sw = sems[NBUF:]

        pltpu.sync_copy(x_hbm.at[pl.ds(base_w, per_w)], idx_v)

        @pl.when(lax.axis_index("s") == 0)
        def _stage_table():
            pltpu.sync_copy(table_hbm, table_sh)

        plsc.subcore_barrier()

        def gather_start(g, b):
            pltpu.async_copy(
                table_sh.at[idx_v.at[pl.ds(g * CHUNK, CHUNK)]], rows_v.at[b], sg[b]
            )

        def gather_wait(b):
            pltpu.make_async_copy(
                table_sh.at[idx_v.at[pl.ds(0, CHUNK)]], rows_v.at[b], sg[b]
            ).wait()

        def write_start(g, b):
            pltpu.async_copy(
                rows_v.at[b], out_hbm.at[pl.ds(base_w + g * CHUNK, CHUNK)], sw[b]
            )

        def write_wait(b):
            pltpu.make_async_copy(
                rows_v.at[b], out_hbm.at[pl.ds(base_w, CHUNK)], sw[b]
            ).wait()

        for b in range(NBUF):
            gather_start(b, b)

        def body(j, carry):
            for b in range(NBUF):
                g = NBUF * j + b
                gather_wait(b)
                write_start(g, b)
                write_wait(b)

                @pl.when(g + NBUF < n_chunks)
                def _next():
                    gather_start(g + NBUF, b)

            return carry

        lax.fori_loop(0, n_chunks // NBUF, body, 0)

    return emb


def kernel(x, table):
    b, s = x.shape
    n = b * s
    n_emb = table.shape[0]
    out = _build(n, n_emb)(x.reshape(n).astype(jnp.int32), table.astype(jnp.float32))
    return out.reshape(b, s, D_MODEL)

# --- scband reference (transcript-rebuilt; emitter-appended) ---
"""Pipeline reference for scband-dnaembedding-4827543241040 (READ-ONLY COPY).

The authoritative reference and input builder live on the scoring server;
editing this copy changes nothing except your own understanding.
"""

import jax, jax.numpy as jnp
import numpy as np

D_MODEL = 128
VOCAB_SIZE = 5  # ACGTN
NUM_EMB = VOCAB_SIZE + 1  # +1, padding_idx=0
BATCH = 32
SEQ_LEN = 8192


def setup_inputs(seed: int = 0) -> dict:
    key = jax.random.key(seed)
    k_idx, k_tab = jax.random.split(key)
    x = jax.random.randint(k_idx, (BATCH, SEQ_LEN), 0, NUM_EMB, dtype=jnp.int64 if jax.config.jax_enable_x64 else jnp.int32)
    table = jax.random.normal(k_tab, (NUM_EMB, D_MODEL), dtype=jnp.float32)
    # nn.Embedding(padding_idx=0) initializes the padding row to zeros
    table = table.at[0].set(0.0)
    return {"x": x, "table": table}


def reference(x, table):
    # DNAEmbedding.forward: return self.embedding(x)
    # padding_idx=0 row is zero (enforced at init); lookup is a plain gather
    return jnp.take(table, x, axis=0)

if __name__ == "__main__":
    import jax
    _d = setup_inputs()
    print(jax.jit(kernel)(*tuple(_d.values())))

</pallas_src>

<mosaic_0001>
#map = affine_map<(d0, d1) -> (0)>
#map1 = affine_map<(d0, d1) -> (0, 0)>
module attributes {stable_mosaic.version = 14 : i64} {
  func.func @emb(%arg0: i32, %arg1: i32, %arg2: memref<262144xi32, #tpu.memory_space<hbm>>, %arg3: memref<6x128xf32, #tpu.memory_space<hbm>>, %arg4: memref<262144x128xf32, #tpu.memory_space<hbm>>, %arg5: memref<8192xi32, #tpu.memory_space<vmem>>, %arg6: memref<6x128xf32, #tpu.memory_space<vmem_shared>>, %arg7: memref<4x64x128xf32, #tpu.memory_space<vmem>>, %arg8: memref<!tpu.dma_semaphore, #tpu.memory_space<semaphore_mem>>, %arg9: memref<!tpu.dma_semaphore, #tpu.memory_space<semaphore_mem>>, %arg10: memref<!tpu.dma_semaphore, #tpu.memory_space<semaphore_mem>>, %arg11: memref<!tpu.dma_semaphore, #tpu.memory_space<semaphore_mem>>, %arg12: memref<!tpu.dma_semaphore, #tpu.memory_space<semaphore_mem>>, %arg13: memref<!tpu.dma_semaphore, #tpu.memory_space<semaphore_mem>>, %arg14: memref<!tpu.dma_semaphore, #tpu.memory_space<semaphore_mem>>, %arg15: memref<!tpu.dma_semaphore, #tpu.memory_space<semaphore_mem>>) attributes {dimension_semantics = [#tpu.dimension_semantics<core_parallel>, #tpu.dimension_semantics<subcore_parallel>], iteration_bounds = array<i64: 2, 16>, scalar_prefetch = 0 : i64, scratch_operands = 11 : i64, tpu.core_type = #tpu.core_type<sc_vector_subcore>, window_params = [{transform_indices = #map}, {transform_indices = #map1}, {transform_indices = #map1}]} {
    %mul3A = arith.constant 2 : i32
    %mul3A_0 = arith.muli %arg1, %mul3A : i32
    %add3A = arith.addi %mul3A_0, %arg0 : i32
    %mul3A_1 = arith.constant 8192 : i32
    %mul3A_2 = arith.muli %add3A, %mul3A_1 : i32
    "tpu.region"() ({
      %run_scoped3A = tpu.sem_alloc : memref<!tpu.dma_semaphore, #tpu.memory_space<semaphore_mem>>
      %dma_start3A_49 = tpu.memref_slice %arg2[%mul3A_2] : memref<262144xi32, #tpu.memory_space<hbm>> -> memref<8192xi32, #tpu.memory_space<hbm>>
      %dma_start3A_50 = tpu.memref_slice %arg2[%mul3A_2] : memref<262144xi32, #tpu.memory_space<hbm>> -> memref<8192xi32, #tpu.memory_space<hbm>>
      tpu.enqueue_dma source(%dma_start3A_50 : memref<8192xi32, #tpu.memory_space<hbm>>) target(%arg5 : memref<8192xi32, #tpu.memory_space<vmem>>) target_semaphore(%run_scoped3A : memref<!tpu.dma_semaphore, #tpu.memory_space<semaphore_mem>>)
      %dma_wait3A = tpu.memref_slice %arg2[%mul3A_2] : memref<262144xi32, #tpu.memory_space<hbm>> -> memref<8192xi32, #tpu.memory_space<hbm>>
      %dma_wait3A_51 = tpu.memref_slice %arg2[%mul3A_2] : memref<262144xi32, #tpu.memory_space<hbm>> -> memref<8192xi32, #tpu.memory_space<hbm>>
      tpu.wait_dma2 semaphore(%run_scoped3A : memref<!tpu.dma_semaphore, #tpu.memory_space<semaphore_mem>>) src(%dma_wait3A_51 : memref<8192xi32, #tpu.memory_space<hbm>>) dst(%arg5 : memref<8192xi32, #tpu.memory_space<vmem>>)
      tpu.yield
    }) : () -> ()
    %eq3A = arith.constant 0 : i32
    %eq3A_3 = arith.cmpi eq, %arg1, %eq3A : i32
    %convert_element_type3A = arith.extui %eq3A_3 : i1 to i32
    %cond3A = arith.constant 0 : i32
    %cond3A_4 = arith.cmpi ne, %convert_element_type3A, %cond3A : i32
    scf.if %cond3A_4 {
      "tpu.region"() ({
        %run_scoped3A = tpu.sem_alloc : memref<!tpu.dma_semaphore, #tpu.memory_space<semaphore_mem>>
        tpu.enqueue_dma source(%arg3 : memref<6x128xf32, #tpu.memory_space<hbm>>) target(%arg6 : memref<6x128xf32, #tpu.memory_space<vmem_shared>>) target_semaphore(%run_scoped3A : memref<!tpu.dma_semaphore, #tpu.memory_space<semaphore_mem>>)
        tpu.wait_dma2 semaphore(%run_scoped3A : memref<!tpu.dma_semaphore, #tpu.memory_space<semaphore_mem>>) src(%arg3 : memref<6x128xf32, #tpu.memory_space<hbm>>) dst(%arg6 : memref<6x128xf32, #tpu.memory_space<vmem_shared>>)
        tpu.yield
      }) : () -> ()
    } else {
    }
    %barrier3A = arith.constant 0 : index
    tpu.barrier barrier_id(%barrier3A)
    %dma_start3A = arith.constant 0 : i32
    %dma_start3A_5 = arith.constant 0 : i32
    %dma_start3A_6 = arith.constant 0 : i32
    %dma_start3A_7 = tpu.memref_slice %arg7[%dma_start3A, %dma_start3A_5, %dma_start3A_6] : memref<4x64x128xf32, #tpu.memory_space<vmem>> -> memref<1x64x128xf32, #tpu.memory_space<vmem>>
    %dma_start3A_8 = tpu.memref_squeeze %dma_start3A_7 : memref<1x64x128xf32, #tpu.memory_space<vmem>> -> memref<64x128xf32, #tpu.memory_space<vmem>>
    %dma_start3A_9 = arith.constant 0 : i32
    %dma_start3A_10 = tpu.memref_slice %arg5[%dma_start3A_9] : memref<8192xi32, #tpu.memory_space<vmem>> -> memref<64xi32, #tpu.memory_space<vmem>>
    %dma_start3A_11 = arith.constant 0 : i32
    %dma_start3A_12 = arith.constant 0 : i32
    %dma_start3A_13 = tpu.memref_slice %arg6[%dma_start3A_11, %dma_start3A_12] : memref<6x128xf32, #tpu.memory_space<vmem_shared>> -> memref<6x128xf32, #tpu.memory_space<vmem_shared>>
    tpu.enqueue_indirect_dma source(%dma_start3A_13 : memref<6x128xf32, #tpu.memory_space<vmem_shared>>) target(%dma_start3A_8 : memref<64x128xf32, #tpu.memory_space<vmem>>) offsets(%dma_start3A_10 : memref<64xi32, #tpu.memory_space<vmem>>) semaphore(%arg8 : memref<!tpu.dma_semaphore, #tpu.memory_space<semaphore_mem>>)
    %dma_start3A_14 = arith.constant 1 : i32
    %dma_start3A_15 = arith.constant 0 : i32
    %dma_start3A_16 = arith.constant 0 : i32
    %dma_start3A_17 = tpu.memref_slice %arg7[%dma_start3A_14, %dma_start3A_15, %dma_start3A_16] : memref<4x64x128xf32, #tpu.memory_space<vmem>> -> memref<1x64x128xf32, #tpu.memory_space<vmem>>
    %dma_start3A_18 = tpu.memref_squeeze %dma_start3A_17 : memref<1x64x128xf32, #tpu.memory_space<vmem>> -> memref<64x128xf32, #tpu.memory_space<vmem>>
    %dma_start3A_19 = arith.constant 64 : i32
    %dma_start3A_20 = tpu.memref_slice %arg5[%dma_start3A_19] : memref<8192xi32, #tpu.memory_space<vmem>> -> memref<64xi32, #tpu.memory_space<vmem>>
    %dma_start3A_21 = arith.constant 0 : i32
    %dma_start3A_22 = arith.constant 0 : i32
    %dma_start3A_23 = tpu.memref_slice %arg6[%dma_start3A_21, %dma_start3A_22] : memref<6x128xf32, #tpu.memory_space<vmem_shared>> -> memref<6x128xf32, #tpu.memory_space<vmem_shared>>
    tpu.enqueue_indirect_dma source(%dma_start3A_23 : memref<6x128xf32, #tpu.memory_space<vmem_shared>>) target(%dma_start3A_18 : memref<64x128xf32, #tpu.memory_space<vmem>>) offsets(%dma_start3A_20 : memref<64xi32, #tpu.memory_space<vmem>>) semaphore(%arg9 : memref<!tpu.dma_semaphore, #tpu.memory_space<semaphore_mem>>)
    %dma_start3A_24 = arith.constant 2 : i32
    %dma_start3A_25 = arith.constant 0 : i32
    %dma_start3A_26 = arith.constant 0 : i32
    %dma_start3A_27 = tpu.memref_slice %arg7[%dma_start3A_24, %dma_start3A_25, %dma_start3A_26] : memref<4x64x128xf32, #tpu.memory_space<vmem>> -> memref<1x64x128xf32, #tpu.memory_space<vmem>>
    %dma_start3A_28 = tpu.memref_squeeze %dma_start3A_27 : memref<1x64x128xf32, #tpu.memory_space<vmem>> -> memref<64x128xf32, #tpu.memory_space<vmem>>
    %dma_start3A_29 = arith.constant 128 : i32
    %dma_start3A_30 = tpu.memref_slice %arg5[%dma_start3A_29] : memref<8192xi32, #tpu.memory_space<vmem>> -> memref<64xi32, #tpu.memory_space<vmem>>
    %dma_start3A_31 = arith.constant 0 : i32
    %dma_start3A_32 = arith.constant 0 : i32
    %dma_start3A_33 = tpu.memref_slice %arg6[%dma_start3A_31, %dma_start3A_32] : memref<6x128xf32, #tpu.memory_space<vmem_shared>> -> memref<6x128xf32, #tpu.memory_space<vmem_shared>>
    tpu.enqueue_indirect_dma source(%dma_start3A_33 : memref<6x128xf32, #tpu.memory_space<vmem_shared>>) target(%dma_start3A_28 : memref<64x128xf32, #tpu.memory_space<vmem>>) offsets(%dma_start3A_30 : memref<64xi32, #tpu.memory_space<vmem>>) semaphore(%arg10 : memref<!tpu.dma_semaphore, #tpu.memory_space<semaphore_mem>>)
    %dma_start3A_34 = arith.constant 3 : i32
    %dma_start3A_35 = arith.constant 0 : i32
    %dma_start3A_36 = arith.constant 0 : i32
    %dma_start3A_37 = tpu.memref_slice %arg7[%dma_start3A_34, %dma_start3A_35, %dma_start3A_36] : memref<4x64x128xf32, #tpu.memory_space<vmem>> -> memref<1x64x128xf32, #tpu.memory_space<vmem>>
    %dma_start3A_38 = tpu.memref_squeeze %dma_start3A_37 : memref<1x64x128xf32, #tpu.memory_space<vmem>> -> memref<64x128xf32, #tpu.memory_space<vmem>>
    %dma_start3A_39 = arith.constant 192 : i32
    %dma_start3A_40 = tpu.memref_slice %arg5[%dma_start3A_39] : memref<8192xi32, #tpu.memory_space<vmem>> -> memref<64xi32, #tpu.memory_space<vmem>>
    %dma_start3A_41 = arith.constant 0 : i32
    %dma_start3A_42 = arith.constant 0 : i32
    %dma_start3A_43 = tpu.memref_slice %arg6[%dma_start3A_41, %dma_start3A_42] : memref<6x128xf32, #tpu.memory_space<vmem_shared>> -> memref<6x128xf32, #tpu.memory_space<vmem_shared>>
    tpu.enqueue_indirect_dma source(%dma_start3A_43 : memref<6x128xf32, #tpu.memory_space<vmem_shared>>) target(%dma_start3A_38 : memref<64x128xf32, #tpu.memory_space<vmem>>) offsets(%dma_start3A_40 : memref<64xi32, #tpu.memory_space<vmem>>) semaphore(%arg11 : memref<!tpu.dma_semaphore, #tpu.memory_space<semaphore_mem>>)
    %scan3A = arith.constant 0 : i32
    %scan3A_44 = arith.constant 0 : i32
    %scan3A_45 = arith.constant 32 : i32
    %scan3A_46 = arith.addi %scan3A_44, %scan3A_45 : i32
    %scan3A_47 = arith.constant 1 : i32
    scf.for %scan3A_49 = %scan3A_44 to %scan3A_46 step %scan3A_47  : i32 {
      %mul3A_50 = arith.constant 4 : i32
      %mul3A_51 = arith.muli %mul3A_50, %scan3A_49 : i32
      %add3A_52 = arith.constant 0 : i32
      %add3A_53 = arith.addi %mul3A_51, %add3A_52 : i32
      %dma_wait3A = arith.constant 0 : i32
      %dma_wait3A_54 = arith.constant 0 : i32
      %dma_wait3A_55 = arith.constant 0 : i32
      %dma_wait3A_56 = tpu.memref_slice %arg7[%dma_wait3A, %dma_wait3A_54, %dma_wait3A_55] : memref<4x64x128xf32, #tpu.memory_space<vmem>> -> memref<1x64x128xf32, #tpu.memory_space<vmem>>
      %dma_wait3A_57 = tpu.memref_squeeze %dma_wait3A_56 : memref<1x64x128xf32, #tpu.memory_space<vmem>> -> memref<64x128xf32, #tpu.memory_space<vmem>>
      %dma_wait3A_58 = arith.constant 0 : i32
      %dma_wait3A_59 = tpu.memref_slice %arg5[%dma_wait3A_58] : memref<8192xi32, #tpu.memory_space<vmem>> -> memref<64xi32, #tpu.memory_space<vmem>>
      %dma_wait3A_60 = arith.constant 0 : i32
      %dma_wait3A_61 = arith.constant 0 : i32
      %dma_wait3A_62 = tpu.memref_slice %arg6[%dma_wait3A_60, %dma_wait3A_61] : memref<6x128xf32, #tpu.memory_space<vmem_shared>> -> memref<6x128xf32, #tpu.memory_space<vmem_shared>>
      tpu.wait_indirect_dma semaphore(%arg8 : memref<!tpu.dma_semaphore, #tpu.memory_space<semaphore_mem>>) src(%dma_wait3A_62 : memref<6x128xf32, #tpu.memory_space<vmem_shared>>) dst(%dma_wait3A_57 : memref<64x128xf32, #tpu.memory_space<vmem>>)
      %mul3A_63 = arith.constant 64 : i32
      %mul3A_64 = arith.muli %add3A_53, %mul3A_63 : i32
      %add3A_65 = arith.addi %mul3A_2, %mul3A_64 : i32
      %dma_start3A_66 = arith.constant 0 : i32
      %dma_start3A_67 = arith.constant 0 : i32
      %dma_start3A_68 = arith.constant 0 : i32
      %dma_start3A_69 = tpu.memref_slice %arg7[%dma_start3A_66, %dma_start3A_67, %dma_start3A_68] : memref<4x64x128xf32, #tpu.memory_space<vmem>> -> memref<1x64x128xf32, #tpu.memory_space<vmem>>
      %dma_start3A_70 = tpu.memref_squeeze %dma_start3A_69 : memref<1x64x128xf32, #tpu.memory_space<vmem>> -> memref<64x128xf32, #tpu.memory_space<vmem>>
      %dma_start3A_71 = arith.constant 0 : i32
      %dma_start3A_72 = tpu.memref_slice %arg4[%add3A_65, %dma_start3A_71] : memref<262144x128xf32, #tpu.memory_space<hbm>> -> memref<64x128xf32, #tpu.memory_space<hbm>>
      %dma_start3A_73 = arith.constant 0 : i32
      %dma_start3A_74 = tpu.memref_slice %arg4[%add3A_65, %dma_start3A_73] : memref<262144x128xf32, #tpu.memory_space<hbm>> -> memref<64x128xf32, #tpu.memory_space<hbm>>
      %dma_start3A_75 = arith.constant 0 : i32
      %dma_start3A_76 = arith.constant 0 : i32
      %dma_start3A_77 = tpu.memref_slice %arg7[%dma_start3A_66, %dma_start3A_75, %dma_start3A_76] : memref<4x64x128xf32, #tpu.memory_space<vmem>> -> memref<1x64x128xf32, #tpu.memory_space<vmem>>
      %dma_start3A_78 = tpu.memref_squeeze %dma_start3A_77 : memref<1x64x128xf32, #tpu.memory_space<vmem>> -> memref<64x128xf32, #tpu.memory_space<vmem>>
      tpu.enqueue_dma source(%dma_start3A_78 : memref<64x128xf32, #tpu.memory_space<vmem>>) target(%dma_start3A_74 : memref<64x128xf32, #tpu.memory_space<hbm>>) target_semaphore(%arg12 : memref<!tpu.dma_semaphore, #tpu.memory_space<semaphore_mem>>)
      %dma_wait3A_79 = arith.constant 0 : i32
      %dma_wait3A_80 = arith.constant 0 : i32
      %dma_wait3A_81 = arith.constant 0 : i32
      %dma_wait3A_82 = tpu.memref_slice %arg7[%dma_wait3A_79, %dma_wait3A_80, %dma_wait3A_81] : memref<4x64x128xf32, #tpu.memory_space<vmem>> -> memref<1x64x128xf32, #tpu.memory_space<vmem>>
      %dma_wait3A_83 = tpu.memref_squeeze %dma_wait3A_82 : memref<1x64x128xf32, #tpu.memory_space<vmem>> -> memref<64x128xf32, #tpu.memory_space<vmem>>
      %dma_wait3A_84 = arith.constant 0 : i32
      %dma_wait3A_85 = tpu.memref_slice %arg4[%mul3A_2, %dma_wait3A_84] : memref<262144x128xf32, #tpu.memory_space<hbm>> -> memref<64x128xf32, #tpu.memory_space<hbm>>
      %dma_wait3A_86 = arith.constant 0 : i32
      %dma_wait3A_87 = tpu.memref_slice %arg4[%mul3A_2, %dma_wait3A_86] : memref<262144x128xf32, #tpu.memory_space<hbm>> -> memref<64x128xf32, #tpu.memory_space<hbm>>
      %dma_wait3A_88 = arith.constant 0 : i32
      %dma_wait3A_89 = arith.constant 0 : i32
      %dma_wait3A_90 = tpu.memref_slice %arg7[%dma_wait3A_79, %dma_wait3A_88, %dma_wait3A_89] : memref<4x64x128xf32, #tpu.memory_space<vmem>> -> memref<1x64x128xf32, #tpu.memory_space<vmem>>
      %dma_wait3A_91 = tpu.memref_squeeze %dma_wait3A_90 : memref<1x64x128xf32, #tpu.memory_space<vmem>> -> memref<64x128xf32, #tpu.memory_space<vmem>>
      tpu.wait_dma2 semaphore(%arg12 : memref<!tpu.dma_semaphore, #tpu.memory_space<semaphore_mem>>) src(%dma_wait3A_91 : memref<64x128xf32, #tpu.memory_space<vmem>>) dst(%dma_wait3A_87 : memref<64x128xf32, #tpu.memory_space<hbm>>)
      %add3A_92 = arith.constant 4 : i32
      %add3A_93 = arith.addi %add3A_53, %add3A_92 : i32
      %lt3A = arith.constant 128 : i32
      %lt3A_94 = arith.cmpi slt, %add3A_93, %lt3A : i32
      %convert_element_type3A_95 = arith.extui %lt3A_94 : i1 to i32
      %cond3A_96 = arith.constant 0 : i32
      %cond3A_97 = arith.cmpi ne, %convert_element_type3A_95, %cond3A_96 : i32
      scf.if %cond3A_97 {
        %add3A_248 = arith.constant 4 : i32
        %add3A_249 = arith.addi %add3A_53, %add3A_248 : i32
        %mul3A_250 = arith.constant 64 : i32
        %mul3A_251 = arith.muli %add3A_249, %mul3A_250 : i32
        %dma_start3A_252 = arith.constant 0 : i32
        %dma_start3A_253 = arith.constant 0 : i32
        %dma_start3A_254 = arith.constant 0 : i32
        %dma_start3A_255 = tpu.memref_slice %arg7[%dma_start3A_252, %dma_start3A_253, %dma_start3A_254] : memref<4x64x128xf32, #tpu.memory_space<vmem>> -> memref<1x64x128xf32, #tpu.memory_space<vmem>>
        %dma_start3A_256 = tpu.memref_squeeze %dma_start3A_255 : memref<1x64x128xf32, #tpu.memory_space<vmem>> -> memref<64x128xf32, #tpu.memory_space<vmem>>
        %dma_start3A_257 = tpu.memref_slice %arg5[%mul3A_251] : memref<8192xi32, #tpu.memory_space<vmem>> -> memref<64xi32, #tpu.memory_space<vmem>>
        %dma_start3A_258 = arith.constant 0 : i32
        %dma_start3A_259 = arith.constant 0 : i32
        %dma_start3A_260 = tpu.memref_slice %arg6[%dma_start3A_258, %dma_start3A_259] : memref<6x128xf32, #tpu.memory_space<vmem_shared>> -> memref<6x128xf32, #tpu.memory_space<vmem_shared>>
        tpu.enqueue_indirect_dma source(%dma_start3A_260 : memref<6x128xf32, #tpu.memory_space<vmem_shared>>) target(%dma_start3A_256 : memref<64x128xf32, #tpu.memory_space<vmem>>) offsets(%dma_start3A_257 : memref<64xi32, #tpu.memory_space<vmem>>) semaphore(%arg8 : memref<!tpu.dma_semaphore, #tpu.memory_space<semaphore_mem>>)
      } else {
      }
      %mul3A_98 = arith.constant 4 : i32
      %mul3A_99 = arith.muli %mul3A_98, %scan3A_49 : i32
      %add3A_100 = arith.constant 1 : i32
      %add3A_101 = arith.addi %mul3A_99, %add3A_100 : i32
      %dma_wait3A_102 = arith.constant 1 : i32
      %dma_wait3A_103 = arith.constant 0 : i32
      %dma_wait3A_104 = arith.constant 0 : i32
      %dma_wait3A_105 = tpu.memref_slice %arg7[%dma_wait3A_102, %dma_wait3A_103, %dma_wait3A_104] : memref<4x64x128xf32, #tpu.memory_space<vmem>> -> memref<1x64x128xf32, #tpu.memory_space<vmem>>
      %dma_wait3A_106 = tpu.memref_squeeze %dma_wait3A_105 : memref<1x64x128xf32, #tpu.memory_space<vmem>> -> memref<64x128xf32, #tpu.memory_space<vmem>>
      %dma_wait3A_107 = arith.constant 0 : i32
      %dma_wait3A_108 = tpu.memref_slice %arg5[%dma_wait3A_107] : memref<8192xi32, #tpu.memory_space<vmem>> -> memref<64xi32, #tpu.memory_space<vmem>>
      %dma_wait3A_109 = arith.constant 0 : i32
      %dma_wait3A_110 = arith.constant 0 : i32
      %dma_wait3A_111 = tpu.memref_slice %arg6[%dma_wait3A_109, %dma_wait3A_110] : memref<6x128xf32, #tpu.memory_space<vmem_shared>> -> memref<6x128xf32, #tpu.memory_space<vmem_shared>>
      tpu.wait_indirect_dma semaphore(%arg9 : memref<!tpu.dma_semaphore, #tpu.memory_space<semaphore_mem>>) src(%dma_wait3A_111 : memref<6x128xf32, #tpu.memory_space<vmem_shared>>) dst(%dma_wait3A_106 : memref<64x128xf32, #tpu.memory_space<vmem>>)
      %mul3A_112 = arith.constant 64 : i32
      %mul3A_113 = arith.muli %add3A_101, %mul3A_112 : i32
      %add3A_114 = arith.addi %mul3A_2, %mul3A_113 : i32
      %dma_start3A_115 = arith.constant 1 : i32
      %dma_start3A_116 = arith.constant 0 : i32
      %dma_start3A_117 = arith.constant 0 : i32
      %dma_start3A_118 = tpu.memref_slice %arg7[%dma_start3A_115, %dma_start3A_116, %dma_start3A_117] : memref<4x64x128xf32, #tpu.memory_space<vmem>> -> memref<1x64x128xf32, #tpu.memory_space<vmem>>
      %dma_start3A_119 = tpu.memref_squeeze %dma_start3A_118 : memref<1x64x128xf32, #tpu.memory_space<vmem>> -> memref<64x128xf32, #tpu.memory_space<vmem>>
      %dma_start3A_120 = arith.constant 0 : i32
      %dma_start3A_121 = tpu.memref_slice %arg4[%add3A_114, %dma_start3A_120] : memref<262144x128xf32, #tpu.memory_space<hbm>> -> memref<64x128xf32, #tpu.memory_space<hbm>>
      %dma_start3A_122 = arith.constant 0 : i32
      %dma_start3A_123 = tpu.memref_slice %arg4[%add3A_114, %dma_start3A_122] : memref<262144x128xf32, #tpu.memory_space<hbm>> -> memref<64x128xf32, #tpu.memory_space<hbm>>
      %dma_start3A_124 = arith.constant 0 : i32
      %dma_start3A_125 = arith.constant 0 : i32
      %dma_start3A_126 = tpu.memref_slice %arg7[%dma_start3A_115, %dma_start3A_124, %dma_start3A_125] : memref<4x64x128xf32, #tpu.memory_space<vmem>> -> memref<1x64x128xf32, #tpu.memory_space<vmem>>
      %dma_start3A_127 = tpu.memref_squeeze %dma_start3A_126 : memref<1x64x128xf32, #tpu.memory_space<vmem>> -> memref<64x128xf32, #tpu.memory_space<vmem>>
      tpu.enqueue_dma source(%dma_start3A_127 : memref<64x128xf32, #tpu.memory_space<vmem>>) target(%dma_start3A_123 : memref<64x128xf32, #tpu.memory_space<hbm>>) target_semaphore(%arg13 : memref<!tpu.dma_semaphore, #tpu.memory_space<semaphore_mem>>)
      %dma_wait3A_128 = arith.constant 1 : i32
      %dma_wait3A_129 = arith.constant 0 : i32
      %dma_wait3A_130 = arith.constant 0 : i32
      %dma_wait3A_131 = tpu.memref_slice %arg7[%dma_wait3A_128, %dma_wait3A_129, %dma_wait3A_130] : memref<4x64x128xf32, #tpu.memory_space<vmem>> -> memref<1x64x128xf32, #tpu.memory_space<vmem>>
      %dma_wait3A_132 = tpu.memref_squeeze %dma_wait3A_131 : memref<1x64x128xf32, #tpu.memory_space<vmem>> -> memref<64x128xf32, #tpu.memory_space<vmem>>
      %dma_wait3A_133 = arith.constant 0 : i32
      %dma_wait3A_134 = tpu.memref_slice %arg4[%mul3A_2, %dma_wait3A_133] : memref<262144x128xf32, #tpu.memory_space<hbm>> -> memref<64x128xf32, #tpu.memory_space<hbm>>
      %dma_wait3A_135 = arith.constant 0 : i32
      %dma_wait3A_136 = tpu.memref_slice %arg4[%mul3A_2, %dma_wait3A_135] : memref<262144x128xf32, #tpu.memory_space<hbm>> -> memref<64x128xf32, #tpu.memory_space<hbm>>
      %dma_wait3A_137 = arith.constant 0 : i32
      %dma_wait3A_138 = arith.constant 0 : i32
      %dma_wait3A_139 = tpu.memref_slice %arg7[%dma_wait3A_128, %dma_wait3A_137, %dma_wait3A_138] : memref<4x64x128xf32, #tpu.memory_space<vmem>> -> memref<1x64x128xf32, #tpu.memory_space<vmem>>
      %dma_wait3A_140 = tpu.memref_squeeze %dma_wait3A_139 : memref<1x64x128xf32, #tpu.memory_space<vmem>> -> memref<64x128xf32, #tpu.memory_space<vmem>>
      tpu.wait_dma2 semaphore(%arg13 : memref<!tpu.dma_semaphore, #tpu.memory_space<semaphore_mem>>) src(%dma_wait3A_140 : memref<64x128xf32, #tpu.memory_space<vmem>>) dst(%dma_wait3A_136 : memref<64x128xf32, #tpu.memory_space<hbm>>)
      %add3A_141 = arith.constant 4 : i32
      %add3A_142 = arith.addi %add3A_101, %add3A_141 : i32
      %lt3A_143 = arith.constant 128 : i32
      %lt3A_144 = arith.cmpi slt, %add3A_142, %lt3A_143 : i32
      %convert_element_type3A_145 = arith.extui %lt3A_144 : i1 to i32
      %cond3A_146 = arith.constant 0 : i32
      %cond3A_147 = arith.cmpi ne, %convert_element_type3A_145, %cond3A_146 : i32
      scf.if %cond3A_147 {
        %add3A_248 = arith.constant 4 : i32
        %add3A_249 = arith.addi %add3A_101, %add3A_248 : i32
        %mul3A_250 = arith.constant 64 : i32
        %mul3A_251 = arith.muli %add3A_249, %mul3A_250 : i32
        %dma_start3A_252 = arith.constant 1 : i32
        %dma_start3A_253 = arith.constant 0 : i32
        %dma_start3A_254 = arith.constant 0 : i32
        %dma_start3A_255 = tpu.memref_slice %arg7[%dma_start3A_252, %dma_start3A_253, %dma_start3A_254] : memref<4x64x128xf32, #tpu.memory_space<vmem>> -> memref<1x64x128xf32, #tpu.memory_space<vmem>>
        %dma_start3A_256 = tpu.memref_squeeze %dma_start3A_255 : memref<1x64x128xf32, #tpu.memory_space<vmem>> -> memref<64x128xf32, #tpu.memory_space<vmem>>
        %dma_start3A_257 = tpu.memref_slice %arg5[%mul3A_251] : memref<8192xi32, #tpu.memory_space<vmem>> -> memref<64xi32, #tpu.memory_space<vmem>>
        %dma_start3A_258 = arith.constant 0 : i32
        %dma_start3A_259 = arith.constant 0 : i32
        %dma_start3A_260 = tpu.memref_slice %arg6[%dma_start3A_258, %dma_start3A_259] : memref<6x128xf32, #tpu.memory_space<vmem_shared>> -> memref<6x128xf32, #tpu.memory_space<vmem_shared>>
        tpu.enqueue_indirect_dma source(%dma_start3A_260 : memref<6x128xf32, #tpu.memory_space<vmem_shared>>) target(%dma_start3A_256 : memref<64x128xf32, #tpu.memory_space<vmem>>) offsets(%dma_start3A_257 : memref<64xi32, #tpu.memory_space<vmem>>) semaphore(%arg9 : memref<!tpu.dma_semaphore, #tpu.memory_space<semaphore_mem>>)
      } else {
      }
      %mul3A_148 = arith.constant 4 : i32
      %mul3A_149 = arith.muli %mul3A_148, %scan3A_49 : i32
      %add3A_150 = arith.constant 2 : i32
      %add3A_151 = arith.addi %mul3A_149, %add3A_150 : i32
      %dma_wait3A_152 = arith.constant 2 : i32
      %dma_wait3A_153 = arith.constant 0 : i32
      %dma_wait3A_154 = arith.constant 0 : i32
      %dma_wait3A_155 = tpu.memref_slice %arg7[%dma_wait3A_152, %dma_wait3A_153, %dma_wait3A_154] : memref<4x64x128xf32, #tpu.memory_space<vmem>> -> memref<1x64x128xf32, #tpu.memory_space<vmem>>
      %dma_wait3A_156 = tpu.memref_squeeze %dma_wait3A_155 : memref<1x64x128xf32, #tpu.memory_space<vmem>> -> memref<64x128xf32, #tpu.memory_space<vmem>>
      %dma_wait3A_157 = arith.constant 0 : i32
      %dma_wait3A_158 = tpu.memref_slice %arg5[%dma_wait3A_157] : memref<8192xi32, #tpu.memory_space<vmem>> -> memref<64xi32, #tpu.memory_space<vmem>>
      %dma_wait3A_159 = arith.constant 0 : i32
      %dma_wait3A_160 = arith.constant 0 : i32
      %dma_wait3A_161 = tpu.memref_slice %arg6[%dma_wait3A_159, %dma_wait3A_160] : memref<6x128xf32, #tpu.memory_space<vmem_shared>> -> memref<6x128xf32, #tpu.memory_space<vmem_shared>>
      tpu.wait_indirect_dma semaphore(%arg10 : memref<!tpu.dma_semaphore, #tpu.memory_space<semaphore_mem>>) src(%dma_wait3A_161 : memref<6x128xf32, #tpu.memory_space<vmem_shared>>) dst(%dma_wait3A_156 : memref<64x128xf32, #tpu.memory_space<vmem>>)
      %mul3A_162 = arith.constant 64 : i32
      %mul3A_163 = arith.muli %add3A_151, %mul3A_162 : i32
      %add3A_164 = arith.addi %mul3A_2, %mul3A_163 : i32
      %dma_start3A_165 = arith.constant 2 : i32
      %dma_start3A_166 = arith.constant 0 : i32
      %dma_start3A_167 = arith.constant 0 : i32
      %dma_start3A_168 = tpu.memref_slice %arg7[%dma_start3A_165, %dma_start3A_166, %dma_start3A_167] : memref<4x64x128xf32, #tpu.memory_space<vmem>> -> memref<1x64x128xf32, #tpu.memory_space<vmem>>
      %dma_start3A_169 = tpu.memref_squeeze %dma_start3A_168 : memref<1x64x128xf32, #tpu.memory_space<vmem>> -> memref<64x128xf32, #tpu.memory_space<vmem>>
      %dma_start3A_170 = arith.constant 0 : i32
      %dma_start3A_171 = tpu.memref_slice %arg4[%add3A_164, %dma_start3A_170] : memref<262144x128xf32, #tpu.memory_space<hbm>> -> memref<64x128xf32, #tpu.memory_space<hbm>>
      %dma_start3A_172 = arith.constant 0 : i32
      %dma_start3A_173 = tpu.memref_slice %arg4[%add3A_164, %dma_start3A_172] : memref<262144x128xf32, #tpu.memory_space<hbm>> -> memref<64x128xf32, #tpu.memory_space<hbm>>
      %dma_start3A_174 = arith.constant 0 : i32
      %dma_start3A_175 = arith.constant 0 : i32
      %dma_start3A_176 = tpu.memref_slice %arg7[%dma_start3A_165, %dma_start3A_174, %dma_start3A_175] : memref<4x64x128xf32, #tpu.memory_space<vmem>> -> memref<1x64x128xf32, #tpu.memory_space<vmem>>
      %dma_start3A_177 = tpu.memref_squeeze %dma_start3A_176 : memref<1x64x128xf32, #tpu.memory_space<vmem>> -> memref<64x128xf32, #tpu.memory_space<vmem>>
      tpu.enqueue_dma source(%dma_start3A_177 : memref<64x128xf32, #tpu.memory_space<vmem>>) target(%dma_start3A_173 : memref<64x128xf32, #tpu.memory_space<hbm>>) target_semaphore(%arg14 : memref<!tpu.dma_semaphore, #tpu.memory_space<semaphore_mem>>)
      %dma_wait3A_178 = arith.constant 2 : i32
      %dma_wait3A_179 = arith.constant 0 : i32
      %dma_wait3A_180 = arith.constant 0 : i32
      %dma_wait3A_181 = tpu.memref_slice %arg7[%dma_wait3A_178, %dma_wait3A_179, %dma_wait3A_180] : memref<4x64x128xf32, #tpu.memory_space<vmem>> -> memref<1x64x128xf32, #tpu.memory_space<vmem>>
      %dma_wait3A_182 = tpu.memref_squeeze %dma_wait3A_181 : memref<1x64x128xf32, #tpu.memory_space<vmem>> -> memref<64x128xf32, #tpu.memory_space<vmem>>
      %dma_wait3A_183 = arith.constant 0 : i32
      %dma_wait3A_184 = tpu.memref_slice %arg4[%mul3A_2, %dma_wait3A_183] : memref<262144x128xf32, #tpu.memory_space<hbm>> -> memref<64x128xf32, #tpu.memory_space<hbm>>
      %dma_wait3A_185 = arith.constant 0 : i32
      %dma_wait3A_186 = tpu.memref_slice %arg4[%mul3A_2, %dma_wait3A_185] : memref<262144x128xf32, #tpu.memory_space<hbm>> -> memref<64x128xf32, #tpu.memory_space<hbm>>
      %dma_wait3A_187 = arith.constant 0 : i32
      %dma_wait3A_188 = arith.constant 0 : i32
      %dma_wait3A_189 = tpu.memref_slice %arg7[%dma_wait3A_178, %dma_wait3A_187, %dma_wait3A_188] : memref<4x64x128xf32, #tpu.memory_space<vmem>> -> memref<1x64x128xf32, #tpu.memory_space<vmem>>
      %dma_wait3A_190 = tpu.memref_squeeze %dma_wait3A_189 : memref<1x64x128xf32, #tpu.memory_space<vmem>> -> memref<64x128xf32, #tpu.memory_space<vmem>>
      tpu.wait_dma2 semaphore(%arg14 : memref<!tpu.dma_semaphore, #tpu.memory_space<semaphore_mem>>) src(%dma_wait3A_190 : memref<64x128xf32, #tpu.memory_space<vmem>>) dst(%dma_wait3A_186 : memref<64x128xf32, #tpu.memory_space<hbm>>)
      %add3A_191 = arith.constant 4 : i32
      %add3A_192 = arith.addi %add3A_151, %add3A_191 : i32
      %lt3A_193 = arith.constant 128 : i32
      %lt3A_194 = arith.cmpi slt, %add3A_192, %lt3A_193 : i32
      %convert_element_type3A_195 = arith.extui %lt3A_194 : i1 to i32
      %cond3A_196 = arith.constant 0 : i32
      %cond3A_197 = arith.cmpi ne, %convert_element_type3A_195, %cond3A_196 : i32
      scf.if %cond3A_197 {
        %add3A_248 = arith.constant 4 : i32
        %add3A_249 = arith.addi %add3A_151, %add3A_248 : i32
        %mul3A_250 = arith.constant 64 : i32
        %mul3A_251 = arith.muli %add3A_249, %mul3A_250 : i32
        %dma_start3A_252 = arith.constant 2 : i32
        %dma_start3A_253 = arith.constant 0 : i32
        %dma_start3A_254 = arith.constant 0 : i32
        %dma_start3A_255 = tpu.memref_slice %arg7[%dma_start3A_252, %dma_start3A_253, %dma_start3A_254] : memref<4x64x128xf32, #tpu.memory_space<vmem>> -> memref<1x64x128xf32, #tpu.memory_space<vmem>>
        %dma_start3A_256 = tpu.memref_squeeze %dma_start3A_255 : memref<1x64x128xf32, #tpu.memory_space<vmem>> -> memref<64x128xf32, #tpu.memory_space<vmem>>
        %dma_start3A_257 = tpu.memref_slice %arg5[%mul3A_251] : memref<8192xi32, #tpu.memory_space<vmem>> -> memref<64xi32, #tpu.memory_space<vmem>>
        %dma_start3A_258 = arith.constant 0 : i32
        %dma_start3A_259 = arith.constant 0 : i32
        %dma_start3A_260 = tpu.memref_slice %arg6[%dma_start3A_258, %dma_start3A_259] : memref<6x128xf32, #tpu.memory_space<vmem_shared>> -> memref<6x128xf32, #tpu.memory_space<vmem_shared>>
        tpu.enqueue_indirect_dma source(%dma_start3A_260 : memref<6x128xf32, #tpu.memory_space<vmem_shared>>) target(%dma_start3A_256 : memref<64x128xf32, #tpu.memory_space<vmem>>) offsets(%dma_start3A_257 : memref<64xi32, #tpu.memory_space<vmem>>) semaphore(%arg10 : memref<!tpu.dma_semaphore, #tpu.memory_space<semaphore_mem>>)
      } else {
      }
      %mul3A_198 = arith.constant 4 : i32
      %mul3A_199 = arith.muli %mul3A_198, %scan3A_49 : i32
      %add3A_200 = arith.constant 3 : i32
      %add3A_201 = arith.addi %mul3A_199, %add3A_200 : i32
      %dma_wait3A_202 = arith.constant 3 : i32
      %dma_wait3A_203 = arith.constant 0 : i32
      %dma_wait3A_204 = arith.constant 0 : i32
      %dma_wait3A_205 = tpu.memref_slice %arg7[%dma_wait3A_202, %dma_wait3A_203, %dma_wait3A_204] : memref<4x64x128xf32, #tpu.memory_space<vmem>> -> memref<1x64x128xf32, #tpu.memory_space<vmem>>
      %dma_wait3A_206 = tpu.memref_squeeze %dma_wait3A_205 : memref<1x64x128xf32, #tpu.memory_space<vmem>> -> memref<64x128xf32, #tpu.memory_space<vmem>>
      %dma_wait3A_207 = arith.constant 0 : i32
      %dma_wait3A_208 = tpu.memref_slice %arg5[%dma_wait3A_207] : memref<8192xi32, #tpu.memory_space<vmem>> -> memref<64xi32, #tpu.memory_space<vmem>>
      %dma_wait3A_209 = arith.constant 0 : i32
      %dma_wait3A_210 = arith.constant 0 : i32
      %dma_wait3A_211 = tpu.memref_slice %arg6[%dma_wait3A_209, %dma_wait3A_210] : memref<6x128xf32, #tpu.memory_space<vmem_shared>> -> memref<6x128xf32, #tpu.memory_space<vmem_shared>>
      tpu.wait_indirect_dma semaphore(%arg11 : memref<!tpu.dma_semaphore, #tpu.memory_space<semaphore_mem>>) src(%dma_wait3A_211 : memref<6x128xf32, #tpu.memory_space<vmem_shared>>) dst(%dma_wait3A_206 : memref<64x128xf32, #tpu.memory_space<vmem>>)
      %mul3A_212 = arith.constant 64 : i32
      %mul3A_213 = arith.muli %add3A_201, %mul3A_212 : i32
      %add3A_214 = arith.addi %mul3A_2, %mul3A_213 : i32
      %dma_start3A_215 = arith.constant 3 : i32
      %dma_start3A_216 = arith.constant 0 : i32
      %dma_start3A_217 = arith.constant 0 : i32
      %dma_start3A_218 = tpu.memref_slice %arg7[%dma_start3A_215, %dma_start3A_216, %dma_start3A_217] : memref<4x64x128xf32, #tpu.memory_space<vmem>> -> memref<1x64x128xf32, #tpu.memory_space<vmem>>
      %dma_start3A_219 = tpu.memref_squeeze %dma_start3A_218 : memref<1x64x128xf32, #tpu.memory_space<vmem>> -> memref<64x128xf32, #tpu.memory_space<vmem>>
      %dma_start3A_220 = arith.constant 0 : i32
      %dma_start3A_221 = tpu.memref_slice %arg4[%add3A_214, %dma_start3A_220] : memref<262144x128xf32, #tpu.memory_space<hbm>> -> memref<64x128xf32, #tpu.memory_space<hbm>>
      %dma_start3A_222 = arith.constant 0 : i32
      %dma_start3A_223 = tpu.memref_slice %arg4[%add3A_214, %dma_start3A_222] : memref<262144x128xf32, #tpu.memory_space<hbm>> -> memref<64x128xf32, #tpu.memory_space<hbm>>
      %dma_start3A_224 = arith.constant 0 : i32
      %dma_start3A_225 = arith.constant 0 : i32
      %dma_start3A_226 = tpu.memref_slice %arg7[%dma_start3A_215, %dma_start3A_224, %dma_start3A_225] : memref<4x64x128xf32, #tpu.memory_space<vmem>> -> memref<1x64x128xf32, #tpu.memory_space<vmem>>
      %dma_start3A_227 = tpu.memref_squeeze %dma_start3A_226 : memref<1x64x128xf32, #tpu.memory_space<vmem>> -> memref<64x128xf32, #tpu.memory_space<vmem>>
      tpu.enqueue_dma source(%dma_start3A_227 : memref<64x128xf32, #tpu.memory_space<vmem>>) target(%dma_start3A_223 : memref<64x128xf32, #tpu.memory_space<hbm>>) target_semaphore(%arg15 : memref<!tpu.dma_semaphore, #tpu.memory_space<semaphore_mem>>)
      %dma_wait3A_228 = arith.constant 3 : i32
      %dma_wait3A_229 = arith.constant 0 : i32
      %dma_wait3A_230 = arith.constant 0 : i32
      %dma_wait3A_231 = tpu.memref_slice %arg7[%dma_wait3A_228, %dma_wait3A_229, %dma_wait3A_230] : memref<4x64x128xf32, #tpu.memory_space<vmem>> -> memref<1x64x128xf32, #tpu.memory_space<vmem>>
      %dma_wait3A_232 = tpu.memref_squeeze %dma_wait3A_231 : memref<1x64x128xf32, #tpu.memory_space<vmem>> -> memref<64x128xf32, #tpu.memory_space<vmem>>
      %dma_wait3A_233 = arith.constant 0 : i32
      %dma_wait3A_234 = tpu.memref_slice %arg4[%mul3A_2, %dma_wait3A_233] : memref<262144x128xf32, #tpu.memory_space<hbm>> -> memref<64x128xf32, #tpu.memory_space<hbm>>
      %dma_wait3A_235 = arith.constant 0 : i32
      %dma_wait3A_236 = tpu.memref_slice %arg4[%mul3A_2, %dma_wait3A_235] : memref<262144x128xf32, #tpu.memory_space<hbm>> -> memref<64x128xf32, #tpu.memory_space<hbm>>
      %dma_wait3A_237 = arith.constant 0 : i32
      %dma_wait3A_238 = arith.constant 0 : i32
      %dma_wait3A_239 = tpu.memref_slice %arg7[%dma_wait3A_228, %dma_wait3A_237, %dma_wait3A_238] : memref<4x64x128xf32, #tpu.memory_space<vmem>> -> memref<1x64x128xf32, #tpu.memory_space<vmem>>
      %dma_wait3A_240 = tpu.memref_squeeze %dma_wait3A_239 : memref<1x64x128xf32, #tpu.memory_space<vmem>> -> memref<64x128xf32, #tpu.memory_space<vmem>>
      tpu.wait_dma2 semaphore(%arg15 : memref<!tpu.dma_semaphore, #tpu.memory_space<semaphore_mem>>) src(%dma_wait3A_240 : memref<64x128xf32, #tpu.memory_space<vmem>>) dst(%dma_wait3A_236 : memref<64x128xf32, #tpu.memory_space<hbm>>)
      %add3A_241 = arith.constant 4 : i32
      %add3A_242 = arith.addi %add3A_201, %add3A_241 : i32
      %lt3A_243 = arith.constant 128 : i32
      %lt3A_244 = arith.cmpi slt, %add3A_242, %lt3A_243 : i32
      %convert_element_type3A_245 = arith.extui %lt3A_244 : i1 to i32
      %cond3A_246 = arith.constant 0 : i32
      %cond3A_247 = arith.cmpi ne, %convert_element_type3A_245, %cond3A_246 : i32
      scf.if %cond3A_247 {
        %add3A_248 = arith.constant 4 : i32
        %add3A_249 = arith.addi %add3A_201, %add3A_248 : i32
        %mul3A_250 = arith.constant 64 : i32
        %mul3A_251 = arith.muli %add3A_249, %mul3A_250 : i32
        %dma_start3A_252 = arith.constant 3 : i32
        %dma_start3A_253 = arith.constant 0 : i32
        %dma_start3A_254 = arith.constant 0 : i32
        %dma_start3A_255 = tpu.memref_slice %arg7[%dma_start3A_252, %dma_start3A_253, %dma_start3A_254] : memref<4x64x128xf32, #tpu.memory_space<vmem>> -> memref<1x64x128xf32, #tpu.memory_space<vmem>>
        %dma_start3A_256 = tpu.memref_squeeze %dma_start3A_255 : memref<1x64x128xf32, #tpu.memory_space<vmem>> -> memref<64x128xf32, #tpu.memory_space<vmem>>
        %dma_start3A_257 = tpu.memref_slice %arg5[%mul3A_251] : memref<8192xi32, #tpu.memory_space<vmem>> -> memref<64xi32, #tpu.memory_space<vmem>>
        %dma_start3A_258 = arith.constant 0 : i32
        %dma_start3A_259 = arith.constant 0 : i32
        %dma_start3A_260 = tpu.memref_slice %arg6[%dma_start3A_258, %dma_start3A_259] : memref<6x128xf32, #tpu.memory_space<vmem_shared>> -> memref<6x128xf32, #tpu.memory_space<vmem_shared>>
        tpu.enqueue_indirect_dma source(%dma_start3A_260 : memref<6x128xf32, #tpu.memory_space<vmem_shared>>) target(%dma_start3A_256 : memref<64x128xf32, #tpu.memory_space<vmem>>) offsets(%dma_start3A_257 : memref<64xi32, #tpu.memory_space<vmem>>) semaphore(%arg11 : memref<!tpu.dma_semaphore, #tpu.memory_space<semaphore_mem>>)
      } else {
      }
    }
    %scan3A_48 = arith.constant 32 : i32
    return
  }
}

</mosaic_0001>

<sc_bundles>
// kernel: kernel.3.cloned.1.call-start
scs
__scs_entry_jumppad:
0x0: {  	(pc) =	sbr.rel $0x88, $3  }
0x1: {  	(tag) =	ssettag $0x0;
	lr =	simm.s32 $0x1  }
0x2: {  	[smem:$0x3F9F] =	sst lr;
	_ =	strace $0xD0000000  }
0x3: {  	_ = 	snop  }
0x4: {  	_ = 	snop  }
0x5: {  	_ = 	snop  }
0x6: {  	_ = 	snop  }
0x7: {  	_ = 	snop  }
__scs_overlays_trampoline_lowered:
0x8: {  	[smem:$0x3FAE] =	sst s0  }
0x9: {  	[smem:$0x3FAF] =	sst s1  }
0xa: {  	[smem:$0x3FB0] =	sst s2  }
0xb: {  	[smem:$0x3FB1] =	sst s3  }
0xc: {  	[smem:$0x3FB2] =	sst s4  }
0xd: {  	[smem:$0x3FB3] =	sst s5  }
0xe: {  	[smem:$0x3FB4] =	sst s6  }
0xf: {  	[smem:$0x3FB5] =	sst s7  }
0x10: {  	[smem:$0x3FB6] =	sst s8  }
0x11: {  	[smem:$0x3FB7] =	sst s9;
	s0 =	simm.s32 @!p0 $0x0  }
0x12: {  	s1 =	sld [smem:$0x3F9D];
	s0 =	simm.s32 @p0 $0x1  }
0x13: {  	[smem:$0x3FB8] =	sst s0;
	s0 =	simm.s32 @!p1 $0x0  }
0x14: {  	s2 =	sld [smem:$0x3F9C];
	s0 =	simm.s32 @p1 $0x1  }
0x15: {  	[smem:$0x3FB9] =	sst s0;
	s0 =	simm.s32 @!p2 $0x0  }
0x16: {  	s3 =	sld [smem:$0x3FDB];
	s0 =	simm.s32 @p2 $0x1  }
0x17: {  	s4 =	simm.s32 $0x1BF5;
	[smem:$0x3FBB] =	sst s0  }
0x18: {  	s0 =	sld [smem:$0x3F9E];
	_ =	swait.ge [sflag:s4], $0x0  }
0x19: {  	s7 =	sld [smem:$0x3F9F]  }
0x1a: {  	s8 =	sadd.s32 $0xFFFFE003, lr  }
0x1b: {  	s9 =	sadd.s32 $0xFFFFFEF7, lr;
	s5 =	simm.s32 $0xFFFFFFFF;
	p2 =	slt.u32 s8, $0xFFFFF086  }
0x1c: {  	p1 =	slt.u32 s9, $0xF7A;
	s5 =	simm.s32 @!p2 $0x0  }
0x1d: {  	s5 =	simm.s32 @p1 $0x1;
	p0 =	seq.s32 s7, s2  }
0x1e: {  	s7 =	smul.u32 @!p0 $0xF7A, s2;
	p2 =	seq.s32 @!p0 s5, $0x0  }
0x1f: {  	s9 =	smul.u32 $0xF7A, s1;
	s8 =	simm.s32 @!p0 $0x1BF5;
	p2 =	por !p2, p0  }
0x20: {  	[sflag:s8] =	ssyncset.s32 @!p0 $0xFFFFF086;
	s6 =	sadd.s32 @!p0 s3, s7;
	s7 =	simm.s32 @!p0 $0x108  }
0x21: {  	s3 =	sadd.s32 s3, s9;
	s6 =	sadd.s32 @!p0 $0x88, s6;
	s7 =	simm.s32 @p2 $0x1082  }
0x22: {  	[simem:s7], [sflag:s8] =	dma.local @!p0 [hbm:s6], $0xF7A  }
0x23: {  	s9 =	sor.u32 $0xD0000000, s2;
	s6 =	simm.s32 $0x108;
	_ =	swait.ge @!p0 [sflag:s8], $0x0  }
0x24: {  	s3 =	sadd.s32 $0x88, s3;
	s6 =	simm.s32 @!p1 $0x1082;
	[sflag:s4] =	ssyncset.s32 $0xFFFFF086  }
0x25: {  	[simem:s6], [sflag:s4] =	dma.local [hbm:s3], $0xF7A  }
0x26: {  	[smem:$0x3F9F] =	sst s1;
	(tag) =	ssettag s2;
	_ =	strace s9  }
0x27: {  	s1 =	sld [smem:$0x3FAF]  }
0x28: {  	s2 =	sld [smem:$0x3FB0]  }
0x29: {  	s4 =	sld [smem:$0x3FB2]  }
0x2a: {  	p0 =	seq.s32 s5, $0x0;
	s5 =	sld [smem:$0x3FB3]  }
0x2b: {  	s6 =	sld [smem:$0x3FB4]  }
0x2c: {  	s7 =	sld [smem:$0x3FB5]  }
0x2d: {  	s3 =	simm.s32 $0x108;
	s8 =	sld [smem:$0x3FB6]  }
0x2e: {  	s3 =	simm.s32 @!p0 $0x1082;
	s9 =	sld [smem:$0x3FB7]  }
0x2f: {  	lr =	sadd.s32 s0, s3;
	s0 =	sld [smem:$0x3FAE]  }
0x30: {  	s3 =	sld [smem:$0x3FB1]  }
0x31: {  	[smem:$0x3FBA] =	sst s10  }
0x32: {  	s10 =	sld [smem:$0x3FB8];
	_ =	sdelay $0x3  }
0x33: {  	p0 =	seq.s32 s10, $0x1;
	s10 =	sld [smem:$0x3FBA];
	_ =	sdelay $0x3  }
0x34: {  	[smem:$0x3FBA] =	sst s10  }
0x35: {  	s10 =	sld [smem:$0x3FB9];
	_ =	sdelay $0x3  }
0x36: {  	p1 =	seq.s32 s10, $0x1;
	s10 =	sld [smem:$0x3FBA];
	_ =	sdelay $0x3  }
0x37: {  	[smem:$0x3FBA] =	sst s10  }
0x38: {  	s10 =	sld [smem:$0x3FBB]  }
0x39: {  	_ = 	snop;
	(pc) =	sbr.ind lr, $3  }
0x3a: {  	_ = 	snop  }
0x3b: {  	_ = 	snop  }
0x3c: {  	p2 =	seq.s32 s10, $0x1;
	s10 =	sld [smem:$0x3FBA]  }
0x3d: {  	_ =	shalt  }
0x3e: {  	_ =	shalt  }
0x3f: {  	_ =	shalt  }
0x40: {  	_ =	shalt  }
0x41: {  	_ =	shalt  }
0x42: {  	_ =	shalt  }
0x43: {  	_ =	shalt  }
0x44: {  	_ =	shalt  }
0x45: {  	_ =	shalt  }
0x46: {  	_ =	shalt  }
0x47: {  	_ =	shalt  }
0x48: {  	_ =	shalt  }
0x49: {  	_ =	shalt  }
0x4a: {  	_ =	shalt  }
0x4b: {  	_ =	shalt  }
0x4c: {  	_ =	shalt  }
0x4d: {  	_ =	shalt  }
0x4e: {  	_ =	shalt  }
0x4f: {  	_ =	shalt  }
0x50: {  	_ =	shalt  }
0x51: {  	_ =	shalt  }
0x52: {  	_ =	shalt  }
0x53: {  	_ =	shalt  }
0x54: {  	_ =	shalt  }
0x55: {  	_ =	shalt  }
0x56: {  	_ =	shalt  }
0x57: {  	_ =	shalt  }
0x58: {  	_ =	shalt  }
0x59: {  	_ =	shalt  }
0x5a: {  	_ =	shalt  }
0x5b: {  	_ =	shalt  }
0x5c: {  	_ =	shalt  }
0x5d: {  	_ =	shalt  }
0x5e: {  	_ =	shalt  }
0x5f: {  	_ =	shalt  }
0x60: {  	_ =	shalt  }
0x61: {  	_ =	shalt  }
0x62: {  	_ =	shalt  }
0x63: {  	_ =	shalt  }
0x64: {  	_ =	shalt  }
0x65: {  	_ =	shalt  }
0x66: {  	_ =	shalt  }
0x67: {  	_ =	shalt  }
0x68: {  	_ =	shalt  }
0x69: {  	_ =	shalt  }
0x6a: {  	_ =	shalt  }
0x6b: {  	_ =	shalt  }
0x6c: {  	_ =	shalt  }
0x6d: {  	_ =	shalt  }
0x6e: {  	_ =	shalt  }
0x6f: {  	_ =	shalt  }
0x70: {  	_ =	shalt  }
0x71: {  	_ =	shalt  }
0x72: {  	_ =	shalt  }
0x73: {  	_ =	shalt  }
0x74: {  	_ =	shalt  }
0x75: {  	_ =	shalt  }
0x76: {  	_ =	shalt  }
0x77: {  	_ =	shalt  }
0x78: {  	_ =	shalt  }
0x79: {  	_ =	shalt  }
0x7a: {  	_ =	shalt  }
0x7b: {  	_ =	shalt  }
0x7c: {  	_ =	shalt  }
0x7d: {  	_ =	shalt  }
0x7e: {  	_ =	shalt  }
0x7f: {  	_ =	shalt  }
0x80: {  	_ =	shalt  }
0x81: {  	_ =	shalt  }
0x82: {  	_ =	shalt  }
0x83: {  	_ =	shalt  }
0x84: {  	_ =	shalt  }
0x85: {  	_ =	shalt  }
0x86: {  	_ =	shalt  }
0x87: {  	_ =	shalt  }
.Lfunc_end0:
.L_simem_size_0:
called_computation_lowered:
.L_overlay_start_0:
0x88: {  	s2 =	sld [smem:$0x3FD9]  }
0x89: {  	s3 =	sld [smem:$0x3FFE];
	_ =	sdelay $0x1  }
0x8a: {  	s1 =	srdreg.scid  }
0x8b: {  	s0 =	sand.u32 $0x1, s1  }
0x8c: {  	s17 =	sshll.u32 s0, $0xA;
	s2 =	sadd.s32 s3, s2  }
0x8d: {  	s2 =	sadd.s32 s2, s17  }
0x8e: {  	[smem:$0x3FC6] =	sst s2  }
0x8f: {  	_ = 	snop  }
0x90: {  	s2 =	sld [smem:$0x3FC8]  }
0x91: {  	s18 =	sld [smem:$0x3FD0];
	(tm) =	ssettm $0x1  }
0x92: {  	s4 =	sld [smem:$0x3FFB];
	_ =	sdelay $0x3  }
0x93: {  	_ =	strace s4  }
0x94: {  	s4 =	sld [smem:$0x3FFC];
	_ =	sdelay $0x3  }
0x95: {  	_ =	strace s4  }
0x96: {  	s4 =	sld [smem:$0x3FFD];
	_ =	sdelay $0x3  }
0x97: {  	_ =	strace s4  }
0x98: {  	_ =	strace $0x8FFFFFFF  }
0x99: {  	s19 =	sld [smem:$0x3FDB];
	_ =	sdelay $0x1  }
0x9a: {  	s5 =	simm.s32 $_scs_section_size  }
0x9b: {  	s6 =	simm.s32 $_size__tile_overlayer_lowered;
	s7 =	simm.s32 $_tile_overlayer_lowered  }
0x9c: {  	s22 =	simm.s32 $0x1BFF;
	s21 =	sshll.u32 s7, $0x1;
	s4 =	sadd.s32 s5, s19  }
0x9d: {  	s8 =	simm.s32 $0x0;
	s20 =	sshll.u32 s6, $0x1;
	s6 =	sadd.s32 s21, s4  }
0x9e: {  	[timem:s8], [sflag:s22] =	dma.local [hbm:s6], s20  }
0x9f: {  	_ =	swait.ge [sflag:s22], s20  }
0xa0: {  	s5 =	ssub.s32 $0x0, s20;
	[sflag:s22] =	ssyncset.done $0x0  }
0xa1: {  	[sflag:s22] =	ssyncadd.s32 s5;
	_ =	sdelay $0x1  }
0xa2: {  	s23 =	simm.s32 $0x1B8B  }
0xa3: {  	_ =	swait.ge [sflag:s23], $0x1  }
0xa4: {  	[sflag:s23] =	ssyncset.done $0x0  }
0xa5: {  	s25 =	simm.s32 $0x1B8E;
	s24 =	sld [smem:$0x3FFE];
	[sflag:s23] =	ssyncadd.s32 $0xFFFFFFFF  }
0xa6: {  	s26 =	simm.s32 $execute0_lowered;
	[smem:$0x3FD2] =	sst s25  }
0xa7: {  	s6 =	sshll.u32 s26, $0x1;
	_ =	strace $0x80000046;
	[dreg:$0x1] =	wrdreg $0xFFFFFFFF  }
0xa8: {  	s28 =	simm.s32 $_size_execute0_lowered;
	s4 =	sadd.s32 s4, s6;
	[dreg:$0x0] =	wrdreg $0x0  }
0xa9: {  	s6 =	sshll.u32 s28, $0x1;
	[dreg:$0x2] =	wrdreg s4  }
0xaa: {  	[dreg:$0x3] =	wrdreg s6  }
0xab: {  	[dreg:$0x4] =	wrdreg $0xC0  }
0xac: {  	_ =	task [dreg:s8], $0x5FFFF  }
0xad: {  	[dreg:$0x1] =	wrdreg $0xFFFFFFFF  }
0xae: {  	[dreg:$0x0] =	wrdreg $0x60  }
0xaf: {  	[dreg:$0x2] =	wrdreg s24  }
0xb0: {  	[dreg:$0x3] =	wrdreg s2  }
0xb1: {  	[dreg:$0x4] =	wrdreg s18  }
0xb2: {  	[dreg:$0x5] =	wrdreg $0x20000  }
0xb3: {  	[dreg:$0x6] =	wrdreg $0x9  }
0xb4: {  	_ =	task.clear_ibuf [dreg:s8], $0x7FFFF;
	_ =	strace $0x90000046  }
0xb5: {  	s29 =	simm.s32 $0x9;
	_ =	strace $0x80000048  }
0xb6: {  	_ =	swait.ge [sflag:s29], $0x1  }
0xb7: {  	[sflag:s29] =	ssyncadd.s32 $0xFFFFFFFF  }
0xb8: {  	_ =	strace $0x90000048  }
0xb9: {  	_ =	sfence  }
0xba: {  	s30 =	sld [smem:$0x0];
	_ =	sdelay $0x2  }
0xbb: {  	s31 =	sshll.u32 s1, $0xD;
	s1 =	sshrl.u32 s1, $0x2  }
0xbc: {  	s3 =	sand.u32 $0x4000, s31;
	s1 =	sadd.s32 s1, s30  }
0xbd: {  	s0 =	sor.u32 s3, s0;
	s1 =	sshll.u32 s1, $0x11  }
0xbe: {  	s0 =	sor.u32 s1, s0  }
0xbf: {  	s0 =	sadd.s32 $0x8F2B, s0  }
0xc0: {  	[sflag:s0] =	ssyncadd.remote.s32 $0x1  }
0xc1: {  	_ =	sfence.sel $0xFFFF  }
0xc2: {  	[dreg:$0x0] =	wrdreg $0xFFFFFFFF;
	(pc) =	sbr.abs _section_cstart, $3  }
0xc3: {  	[dreg:$0x1] =	wrdreg $0xFFFFFFFF  }
0xc4: {  	_ =	task.clear_ibuf [dreg:s8], $0x2FFFF;
	_ =	strace $0x9FFFFFFF  }
0xc5: {  	(tm) =	ssettm $0x7FFFFFFF  }
tec
execute0_lowered:
.L_overlay_start_1:
0x0: {  	(tag) =	ssettag $0x1  }
0x1: {  	s0 =	rddreg [dreg:$0x0]  }
0x2: {  	s9 =	rddreg [dreg:$0x2]  }
0x3: {  	s2 =	rddreg [dreg:$0x3]  }
0x4: {  	s3 =	srdreg.scid;
	s11 =	stileid.u32  }
0x5: {  	s13 =	simm.s32 $0x40;
	s14 =	simm.s32 $0x2030;
	s15 =	simm.s32 $0x4030  }
0x6: {  	s17 =	simm.s32 $0x6030;
	s18 =	simm.s32 $0xC0;
	s19 =	simm.s32 $0x8030  }
0x7: {  	s20 =	simm.s32 $0x1;
	s21 =	simm.s32 $0x5;
	s22 =	simm.s32 $0x2  }
0x8: {  	s23 =	simm.s32 $0x6;
	s24 =	simm.s32 $0x3;
	s25 =	simm.s32 $0x7  }
0x9: {  	s28 =	simm.s32 $0x8;
	s29 =	simm.s32 $0x0;
	s10 =	sand.u32 $0x1, s3  }
0xa: {  	s3 =	simm.s32 $0x0;
	s4 =	sshll.u32 s11, $0xE;
	s12 =	sshll.u32 s11, $0x12  }
0xb: {  	p0 =	sne.s32 s11, $0x0;
	s11 =	simm.s32 $0x9;
	s5 =	sshll.u32 s10, $0xD  }
0xc: {  	[smem:$0x7FF] =	sst s3;
	s26 =	ssub.s32 $0x2, s10;
	s12 =	sadd.s32 s12, s9  }
0xd: {  	s10 =	sshll.u32 s10, $0x11;
	s4 =	sor.u32 s5, s4;
	_ =	strace $0x80000047  }
0xe: {  	s7 =	sshrl.u32 s26, $0x1;
	s10 =	sadd.s32 s10, s12;
	s12 =	sshrl.u32 @!p0 s2, $0x3  }
0xf: {  	s6 =	sshrl.u32 s4, $0x3;
	s5 =	ssub.s32 s26, s7;
	s30 =	sshll.u32 s4, $0x4  }
0x10: {  	s26 =	simm.s32 $0x4;
	s0 =	sadd.s32 s6, s0;
	s31 =	sadd.s32 s9, s30  }
0x11: {  	s5 =	smax.u32 s5, $0x1;
	s4 =	sadd.s32 $0x400, s0;
	s6 =	sadd.s32 $0x1F000, s31  }
0x12: {  	s7 =	sadd.s32 $0x1F400, s31;
	s8 =	sadd.s32 $0x1F800, s31;
	s9 =	sadd.s32 $0x1FC00, s31  }
.LBB2_1:
0x13: {  	[tilespmem:s3], [sflag:$0x9] =	stream.linear.gather [hbm4b:s4+s3], $0x2000, $0x38;
	[tilespmem:$0xA030] =	vst v63  }
0x14: {  	_ =	swait.ge [sflag:s11], $0x2000  }
0x15: {  	[sflag:s11] =	ssyncset.done $0x0  }
0x16: {  	[sflag:s11] =	ssyncadd.s32 $0xFFFFE000  }
0x17: {  	s0 =	simm.s32 @!p0 $0x1C09;
	s1 =	rddreg [dreg:$0x1]  }
0x18: {  	[spmem:s12], [sflag:s0] =	dma.local @!p0 [hbm:s1], $0x60  }
0x19: {  	s0 =	simm.s32 @!p0 $0x9  }
0x1a: {  	_ =	swait.ge @!p0 [sflag:s0], $0x60  }
0x1b: {  	[sflag:s0] =	ssyncset.done @!p0 $0x0  }
0x1c: {  	[sflag:s0] =	ssyncadd.s32 @!p0 $0xFFFFFFA0  }
0x1d: {  	[bflag:$0x0] =	sbarrier.arrive $0xFFFF  }
0x1e: {  	[tilespmem:s14], [sflag:$0x1] =	stream.indirect.gather [spmem:s2], $0x80, s3, s13, $0xb8;
	[tilespmem:$0xA030] =	vst v63  }
0x1f: {  	_ = 	snop  }
0x20: {  	[tilespmem:s15], [sflag:$0x2] =	stream.indirect.gather [spmem:s2], $0x80, s13, s13, $0xb8;
	[tilespmem:$0xA030] =	vst v63  }
0x21: {  	s1 =	simm.s32 $0x80  }
0x22: {  	[tilespmem:s17], [sflag:$0x3] =	stream.indirect.gather [spmem:s2], $0x80, s1, s13, $0xb8;
	[tilespmem:$0xA030] =	vst v63  }
0x23: {  	_ = 	snop  }
0x24: {  	[tilespmem:s19], [sflag:$0x4] =	stream.indirect.gather [spmem:s2], $0x80, s18, s13, $0xb8;
	[tilespmem:$0xA030] =	vst v63  }
0x25: {  	_ =	swait.ge [sflag:s20], $0x2000  }
0x26: {  	[sflag:s20] =	ssyncset.done $0x0  }
0x27: {  	s16 =	sadd.s32 $0x0, s10;
	[sflag:s20] =	ssyncadd.s32 $0xFFFFE000  }
0x28: {  	[hbm4b:s16+s3] =	stream.linear.scatter [tilespmem:s14], [sflag:$0x5], $0x2000, $0x38;
	[tilespmem:$0xA030] =	vst v63  }
0x29: {  	_ =	swait.ge [sflag:s21], $0x2000  }
0x2a: {  	[sflag:s21] =	ssyncset.done $0x0  }
0x2b: {  	s30 =	simm.s32 $0x100;
	[sflag:s21] =	ssyncadd.s32 $0xFFFFE000  }
0x2c: {  	[tilespmem:s14], [sflag:$0x1] =	stream.indirect.gather [spmem:s2], $0x80, s30, s13, $0xb8;
	[tilespmem:$0xA030] =	vst v63  }
0x2d: {  	_ =	swait.ge [sflag:s22], $0x2000  }
0x2e: {  	[sflag:s22] =	ssyncset.done $0x0  }
0x2f: {  	s30 =	sadd.s32 $0x400, s16;
	[sflag:s22] =	ssyncadd.s32 $0xFFFFE000  }
0x30: {  	[hbm4b:s30+s3] =	stream.linear.scatter [tilespmem:s15], [sflag:$0x6], $0x2000, $0x38;
	[tilespmem:$0xA030] =	vst v63  }
0x31: {  	_ =	swait.ge [sflag:s23], $0x2000  }
0x32: {  	[sflag:s23] =	ssyncset.done $0x0  }
0x33: {  	s30 =	simm.s32 $0x140;
	[sflag:s23] =	ssyncadd.s32 $0xFFFFE000  }
0x34: {  	[tilespmem:s15], [sflag:$0x2] =	stream.indirect.gather [spmem:s2], $0x80, s30, s13, $0xb8;
	[tilespmem:$0xA030] =	vst v63  }
0x35: {  	_ =	swait.ge [sflag:s24], $0x2000  }
0x36: {  	[sflag:s24] =	ssyncset.done $0x0  }
0x37: {  	s30 =	sadd.s32 $0x800, s16;
	[sflag:s24] =	ssyncadd.s32 $0xFFFFE000  }
0x38: {  	[hbm4b:s30+s3] =	stream.linear.scatter [tilespmem:s17], [sflag:$0x7], $0x2000, $0x38;
	[tilespmem:$0xA030] =	vst v63  }
0x39: {  	_ =	swait.ge [sflag:s25], $0x2000  }
0x3a: {  	[sflag:s25] =	ssyncset.done $0x0  }
0x3b: {  	s30 =	simm.s32 $0x180;
	[sflag:s25] =	ssyncadd.s32 $0xFFFFE000  }
0x3c: {  	[tilespmem:s17], [sflag:$0x3] =	stream.indirect.gather [spmem:s2], $0x80, s30, s13, $0xb8;
	[tilespmem:$0xA030] =	vst v63  }
0x3d: {  	_ =	swait.ge [sflag:s26], $0x2000  }
0x3e: {  	[sflag:s26] =	ssyncset.done $0x0  }
0x3f: {  	s0 =	sadd.s32 $0xC00, s16;
	[sflag:s26] =	ssyncadd.s32 $0xFFFFE000  }
0x40: {  	[hbm4b:s0+s3] =	stream.linear.scatter [tilespmem:s19], [sflag:$0x8], $0x2000, $0x38;
	[tilespmem:$0xA030] =	vst v63  }
0x41: {  	_ =	swait.ge [sflag:s28], $0x2000  }
0x42: {  	s31 =	simm.s32 $0x1000;
	[sflag:s28] =	ssyncset.done $0x0  }
0x43: {  	s30 =	simm.s32 $0x1C0;
	s0 =	simm.s32 $0x2C0;
	[sflag:s28] =	ssyncadd.s32 $0xFFFFE000  }
.LBB2_2:
0x44: {  	[tilespmem:s19], [sflag:$0x4] =	stream.indirect.gather [spmem:s2], $0x80, s30, s13, $0xb8;
	[tilespmem:$0xA030] =	vst v63  }
0x45: {  	s1 =	smov.u32 s31;
	s30 =	smov.u32 s0  }
0x46: {  	p1 =	sne.s32 s31, $0x1E000;
	s31 =	sadd.s32 $0x1000, s31;
	_ =	swait.ge [sflag:s20], $0x2000  }
0x47: {  	[sflag:s20] =	ssyncset.done $0x0  }
0x48: {  	s1 =	sadd.s32 s1, s10;
	[sflag:s20] =	ssyncadd.s32 $0xFFFFE000  }
0x49: {  	[hbm4b:s1+s3] =	stream.linear.scatter [tilespmem:s14], [sflag:$0x5], $0x2000, $0x38;
	[tilespmem:$0xA030] =	vst v63  }
0x4a: {  	_ =	swait.ge [sflag:s21], $0x2000  }
0x4b: {  	[sflag:s21] =	ssyncset.done $0x0  }
0x4c: {  	s16 =	sadd.s32 $0xFFFFFF40, s0;
	[sflag:s21] =	ssyncadd.s32 $0xFFFFE000  }
0x4d: {  	[tilespmem:s14], [sflag:$0x1] =	stream.indirect.gather [spmem:s2], $0x80, s16, s13, $0xb8;
	[tilespmem:$0xA030] =	vst v63  }
0x4e: {  	_ =	swait.ge [sflag:s22], $0x2000  }
0x4f: {  	[sflag:s22] =	ssyncset.done $0x0  }
0x50: {  	s16 =	sadd.s32 $0x400, s1;
	[sflag:s22] =	ssyncadd.s32 $0xFFFFE000  }
0x51: {  	[hbm4b:s16+s3] =	stream.linear.scatter [tilespmem:s15], [sflag:$0x6], $0x2000, $0x38;
	[tilespmem:$0xA030] =	vst v63  }
0x52: {  	_ =	swait.ge [sflag:s23], $0x2000  }
0x53: {  	[sflag:s23] =	ssyncset.done $0x0  }
0x54: {  	s16 =	sadd.s32 $0xFFFFFF80, s0;
	[sflag:s23] =	ssyncadd.s32 $0xFFFFE000  }
0x55: {  	[tilespmem:s15], [sflag:$0x2] =	stream.indirect.gather [spmem:s2], $0x80, s16, s13, $0xb8;
	[tilespmem:$0xA030] =	vst v63  }
0x56: {  	_ =	swait.ge [sflag:s24], $0x2000  }
0x57: {  	[sflag:s24] =	ssyncset.done $0x0  }
0x58: {  	s16 =	sadd.s32 $0x800, s1;
	[sflag:s24] =	ssyncadd.s32 $0xFFFFE000  }
0x59: {  	[hbm4b:s16+s3] =	stream.linear.scatter [tilespmem:s17], [sflag:$0x7], $0x2000, $0x38;
	[tilespmem:$0xA030] =	vst v63  }
0x5a: {  	_ =	swait.ge [sflag:s25], $0x2000  }
0x5b: {  	[sflag:s25] =	ssyncset.done $0x0  }
0x5c: {  	s16 =	sadd.s32 $0xFFFFFFC0, s0;
	[sflag:s25] =	ssyncadd.s32 $0xFFFFE000  }
0x5d: {  	[tilespmem:s17], [sflag:$0x3] =	stream.indirect.gather [spmem:s2], $0x80, s16, s13, $0xb8;
	[tilespmem:$0xA030] =	vst v63  }
0x5e: {  	_ =	swait.ge [sflag:s26], $0x2000  }
0x5f: {  	[sflag:s26] =	ssyncset.done $0x0  }
.Ltmp0:
0x60: {  	s1 =	sadd.s32 $0xC00, s1;
	[sflag:s26] =	ssyncadd.s32 $0xFFFFE000;
	(pc) =	sbr.rel @p1 .LBB2_2-.Ltmp0, $4  }
0x61: {  	[hbm4b:s1+s3] =	stream.linear.scatter [tilespmem:s19], [sflag:$0x8], $0x2000, $0x38;
	[tilespmem:$0xA030] =	vst v63  }
0x62: {  	_ =	swait.ge [sflag:s28], $0x2000  }
0x63: {  	[sflag:s28] =	ssyncset.done $0x0  }
0x64: {  	s0 =	sadd.s32 $0x100, s0;
	[sflag:s28] =	ssyncadd.s32 $0xFFFFE000  }
0x65: {  	[tilespmem:s19], [sflag:$0x4] =	stream.indirect.gather [spmem:s2], $0x80, s30, s13, $0xb8;
	[tilespmem:$0xA030] =	vst v63  }
0x66: {  	_ =	swait.ge [sflag:s20], $0x2000  }
0x67: {  	[sflag:s20] =	ssyncset.done $0x0  }
0x68: {  	[sflag:s20] =	ssyncadd.s32 $0xFFFFE000  }
0x69: {  	[hbm4b:s6+s3] =	stream.linear.scatter [tilespmem:s14], [sflag:$0x5], $0x2000, $0x38;
	[tilespmem:$0xA030] =	vst v63  }
0x6a: {  	_ =	swait.ge [sflag:s21], $0x2000  }
0x6b: {  	[sflag:s21] =	ssyncset.done $0x0  }
0x6c: {  	[sflag:s21] =	ssyncadd.s32 $0xFFFFE000  }
0x6d: {  	_ =	swait.ge [sflag:s22], $0x2000  }
0x6e: {  	[sflag:s22] =	ssyncset.done $0x0  }
0x6f: {  	[sflag:s22] =	ssyncadd.s32 $0xFFFFE000  }
0x70: {  	[hbm4b:s7+s3] =	stream.linear.scatter [tilespmem:s15], [sflag:$0x6], $0x2000, $0x38;
	[tilespmem:$0xA030] =	vst v63  }
0x71: {  	_ =	swait.ge [sflag:s23], $0x2000  }
0x72: {  	[sflag:s23] =	ssyncset.done $0x0  }
0x73: {  	[sflag:s23] =	ssyncadd.s32 $0xFFFFE000  }
0x74: {  	_ =	swait.ge [sflag:s24], $0x2000  }
0x75: {  	[sflag:s24] =	ssyncset.done $0x0  }
0x76: {  	[sflag:s24] =	ssyncadd.s32 $0xFFFFE000  }
0x77: {  	[hbm4b:s8+s3] =	stream.linear.scatter [tilespmem:s17], [sflag:$0x7], $0x2000, $0x38;
	[tilespmem:$0xA030] =	vst v63  }
0x78: {  	_ =	swait.ge [sflag:s25], $0x2000  }
0x79: {  	[sflag:s25] =	ssyncset.done $0x0  }
0x7a: {  	[sflag:s25] =	ssyncadd.s32 $0xFFFFE000  }
0x7b: {  	s29 =	sadd.s32 $0x1, s29;
	_ =	swait.ge [sflag:s26], $0x2000  }
0x7c: {  	p1 =	sne.s32 s29, s5;
	[sflag:s26] =	ssyncset.done $0x0  }
.Ltmp1:
0x7d: {  	[sflag:s26] =	ssyncadd.s32 $0xFFFFE000;
	(pc) =	sbr.rel @p1 .LBB2_1-.Ltmp1, $4  }
0x7e: {  	[hbm4b:s9+s3] =	stream.linear.scatter [tilespmem:s19], [sflag:$0x8], $0x2000, $0x38;
	[tilespmem:$0xA030] =	vst v63  }
0x7f: {  	_ =	swait.ge [sflag:s28], $0x2000  }
0x80: {  	[sflag:s28] =	ssyncset.done $0x0  }
0x81: {  	[sflag:s28] =	ssyncadd.s32 $0xFFFFE000  }
0x82: {  	_ =	sfence.sel $0x180000  }
0x83: {  	[bflag:$0x0] =	sbarrier.arrive $0xFFFF  }
0x84: {  	_ =	strace $0x90000047  }
0x85: {  	[bflag:$0x2] =	sbarrier.arrive $0xFFFF  }
0x86: {  	s0 =	rddreg [dreg:$0x4]  }
0x87: {  	s0 =	sadd.s32 @!p0 $0x100000, s0  }
0x88: {  	[sflag:s0] =	ssyncadd.tile.s32 @!p0 $0x1;
	_ =	shalt  }
.Lfunc_end2:
_tile_overlayer_lowered:
.L_overlay_start_2:
0x89: {  	(tag) =	ssettag $0x2  }
0x8a: {  	s0 =	rddreg [dreg:$0x0];
	s2 =	stileid.u32  }
0x8b: {  	s1 =	rddreg [dreg:$0x1];
	p0 =	sne.s32 s2, $0x0  }
0x8c: {  	s3 =	rddreg [dreg:$0x2];
	[bflag:$0x3] =	sbarrier.arrive $0xFFFF;
	s2 =	simm.s32 @!p0 $0x1C09  }
0x8d: {  	[timem:s3], [sflag:s2] =	dma.local @!p0 [hbm:s0], s1  }
0x8e: {  	s0 =	simm.s32 @!p0 $0x9  }
0x8f: {  	_ =	swait.ge @!p0 [sflag:s0], s1  }
0x90: {  	s1 =	ssub.s32 @!p0 $0x0, s1;
	[sflag:s0] =	ssyncset.done @!p0 $0x0  }
0x91: {  	[sflag:s0] =	ssyncadd.s32 @!p0 s1  }
0x92: {  	[bflag:$0x3] =	sbarrier.arrive $0xFFFF  }
0x93: {  	_ =	shalt  }

</sc_bundles>
